<compile_context>
chip_gen: v7x
topology: tpu7x:2x2x1
jax: 0.10.2.dev20260603
libtpu: 0.0.44.dev20260713+nightly
codegen_flags: <defaults>
</compile_context>

<pallas_src>
import functools

import jax
import jax.numpy as jnp
from jax import lax
from jax.experimental import pallas as pl
from jax.experimental.pallas import tpu as pltpu
from jax.experimental.pallas import tpu_sc as plsc

_MARGIN = 0.1
_LANES = 16


def _pair_indices(batch_size: int, n_pad: int):
    n_pairs = min(1000, batch_size * (batch_size - 1) // 2)
    ki, kj = jax.random.split(jax.random.key(42))
    idx_i = jax.random.randint(ki, (n_pairs,), 0, batch_size).astype(jnp.int32)
    idx_j = jax.random.randint(kj, (n_pairs,), 0, batch_size).astype(jnp.int32)
    zeros = jnp.zeros((n_pad - n_pairs,), jnp.int32)
    return jnp.concatenate([idx_i, zeros]), jnp.concatenate([idx_j, zeros])


@functools.lru_cache(maxsize=None)
def _build_sc_kernel(batch_size: int, n_pad: int):
    n_chunks = n_pad // _LANES
    mesh = plsc.VectorSubcoreMesh(
        core_axis_name="c", subcore_axis_name="s", num_cores=1)

    @functools.partial(
        pl.kernel,
        out_type=jax.ShapeDtypeStruct((1,), jnp.float32),
        mesh=mesh,
        compiler_params=pltpu.CompilerParams(needs_layout_passes=False),
        scratch_types=[
            pltpu.VMEM((batch_size,), jnp.float32),
            pltpu.VMEM((batch_size,), jnp.float32),
            pltpu.VMEM((n_pad,), jnp.int32),
            pltpu.VMEM((n_pad,), jnp.int32),
            pltpu.VMEM((_LANES,), jnp.float32),
            pltpu.SemaphoreType.DMA,
            pltpu.SemaphoreType.DMA,
            pltpu.SemaphoreType.DMA,
            pltpu.SemaphoreType.DMA,
        ],
    )
    def sc_loss(pred_hbm, targ_hbm, ii_hbm, jj_hbm, out_hbm,
                pred_v, targ_v, ii_v, jj_v, out_v,
                sem0, sem1, sem2, sem3):
        sid = lax.axis_index("s")

        @pl.when(sid == 0)
        def _():
            cps = [
                pltpu.async_copy(ii_hbm, ii_v, sem0),
                pltpu.async_copy(jj_hbm, jj_v, sem1),
                pltpu.async_copy(pred_hbm, pred_v, sem2),
                pltpu.async_copy(targ_hbm, targ_v, sem3),
            ]
            for cp in cps:
                cp.wait()

            zeros = jnp.zeros((_LANES,), jnp.float32)

            @plsc.parallel_loop(0, n_chunks, 1, unroll=8, carry=(zeros, zeros))
            def loop(k, carry):
                acc, cnt = carry
                sl = pl.ds(k * _LANES, _LANES)
                ii, jj = ii_v[sl], jj_v[sl]
                ti = plsc.load_gather(targ_v, [ii])
                tj = plsc.load_gather(targ_v, [jj])
                pi = plsc.load_gather(pred_v, [ii])
                pj = plsc.load_gather(pred_v, [jj])
                y = jnp.sign(ti - tj)
                m = jnp.where((ii != jj) & (ti != tj), 1.0, 0.0)
                per = jnp.maximum(0.0, -y * (pi - pj) + _MARGIN)
                return acc + per * m, cnt + m

            acc, cnt = loop
            total = jnp.full((_LANES,), jnp.sum(acc), dtype=jnp.float32)
            denom = jnp.full((_LANES,), jnp.sum(cnt), dtype=jnp.float32)
            out_v[...] = total / jnp.maximum(denom, 1.0)
            pltpu.sync_copy(out_v.at[pl.ds(0, 1)], out_hbm)

    return sc_loss


def kernel(predictions, targets):
    batch_size = predictions.shape[0]
    if batch_size < 2:
        return jnp.asarray(0.0, dtype=jnp.float32)
    n_pairs = min(1000, batch_size * (batch_size - 1) // 2)
    n_pad = -(-n_pairs // _LANES) * _LANES
    ii, jj = _pair_indices(batch_size, n_pad)
    sc_loss = _build_sc_kernel(batch_size, n_pad)
    out = sc_loss(predictions, targets, ii, jj)
    return jnp.reshape(out, ())

# --- scband reference (transcript-rebuilt; emitter-appended) ---
"""Pipeline reference for scband-margin-ranking-loss-31499290149017 (READ-ONLY COPY).

The authoritative reference and input builder live on the scoring server;
editing this copy changes nothing except your own understanding.
"""

import jax, jax.numpy as jnp
import numpy as np

MARGIN = 0.1
BATCH = 16384


def setup_inputs(seed: int = 0) -> dict:
    key = jax.random.key(seed)
    k1, k2 = jax.random.split(key)
    predictions = jax.random.normal(k1, (BATCH,), dtype=jnp.float32)
    targets = jax.random.normal(k2, (BATCH,), dtype=jnp.float32)
    return {"predictions": predictions, "targets": targets}


def reference(predictions, targets):
    batch_size = predictions.shape[0]
    if batch_size < 2:
        return jnp.asarray(0.0, dtype=jnp.float32)
    n_pairs = min(1000, batch_size * (batch_size - 1) // 2)
    # deterministic stand-in for torch.randint pair sampling
    ki, kj = jax.random.split(jax.random.key(42))
    idx_i = jax.random.randint(ki, (n_pairs,), 0, batch_size)
    idx_j = jax.random.randint(kj, (n_pairs,), 0, batch_size)
    ti = jnp.take(targets, idx_i)
    tj = jnp.take(targets, idx_j)
    mask = (idx_i != idx_j) & (ti != tj)
    y = jnp.sign(ti - tj)
    pi = jnp.take(predictions, idx_i)
    pj = jnp.take(predictions, idx_j)
    # margin ranking loss: max(0, -y*(pi - pj) + margin), mean over valid pairs
    per_pair = jnp.maximum(0.0, -y * (pi - pj) + MARGIN)
    m = mask.astype(jnp.float32)
    denom = jnp.maximum(jnp.sum(m), 1.0)
    loss = jnp.sum(per_pair * m) / denom
    return loss

if __name__ == "__main__":
    import jax
    _d = setup_inputs()
    print(jax.jit(kernel)(*tuple(_d.values())))

</pallas_src>

<mosaic_0001>
#map = affine_map<(d0, d1) -> (0)>
module attributes {stable_mosaic.version = 14 : i64} {
  func.func @sc_loss(%arg0: i32, %arg1: i32, %arg2: memref<16384xf32, #tpu.memory_space<hbm>>, %arg3: memref<16384xf32, #tpu.memory_space<hbm>>, %arg4: memref<1008xi32, #tpu.memory_space<hbm>>, %arg5: memref<1008xi32, #tpu.memory_space<hbm>>, %arg6: memref<1xf32, #tpu.memory_space<hbm>>, %arg7: memref<16384xf32, #tpu.memory_space<vmem>>, %arg8: memref<16384xf32, #tpu.memory_space<vmem>>, %arg9: memref<1008xi32, #tpu.memory_space<vmem>>, %arg10: memref<1008xi32, #tpu.memory_space<vmem>>, %arg11: memref<16xf32, #tpu.memory_space<vmem>>, %arg12: memref<!tpu.dma_semaphore, #tpu.memory_space<semaphore_mem>>, %arg13: memref<!tpu.dma_semaphore, #tpu.memory_space<semaphore_mem>>, %arg14: memref<!tpu.dma_semaphore, #tpu.memory_space<semaphore_mem>>, %arg15: memref<!tpu.dma_semaphore, #tpu.memory_space<semaphore_mem>>) attributes {dimension_semantics = [#tpu.dimension_semantics<core_parallel>, #tpu.dimension_semantics<subcore_parallel>], iteration_bounds = array<i64: 1, 16>, scalar_prefetch = 0 : i64, scratch_operands = 9 : i64, tpu.core_type = #tpu.core_type<sc_vector_subcore>, window_params = [{transform_indices = #map}, {transform_indices = #map}, {transform_indices = #map}, {transform_indices = #map}, {transform_indices = #map}]} {
    %eq3A = arith.constant 0 : i32
    %eq3A_0 = arith.cmpi eq, %arg1, %eq3A : i32
    %convert_element_type3A = arith.extui %eq3A_0 : i1 to i32
    %cond3A = arith.constant 0 : i32
    %cond3A_1 = arith.cmpi ne, %convert_element_type3A, %cond3A : i32
    scf.if %cond3A_1 {
      tpu.enqueue_dma source(%arg4 : memref<1008xi32, #tpu.memory_space<hbm>>) target(%arg9 : memref<1008xi32, #tpu.memory_space<vmem>>) target_semaphore(%arg12 : memref<!tpu.dma_semaphore, #tpu.memory_space<semaphore_mem>>)
      tpu.enqueue_dma source(%arg5 : memref<1008xi32, #tpu.memory_space<hbm>>) target(%arg10 : memref<1008xi32, #tpu.memory_space<vmem>>) target_semaphore(%arg13 : memref<!tpu.dma_semaphore, #tpu.memory_space<semaphore_mem>>)
      tpu.enqueue_dma source(%arg2 : memref<16384xf32, #tpu.memory_space<hbm>>) target(%arg7 : memref<16384xf32, #tpu.memory_space<vmem>>) target_semaphore(%arg14 : memref<!tpu.dma_semaphore, #tpu.memory_space<semaphore_mem>>)
      tpu.enqueue_dma source(%arg3 : memref<16384xf32, #tpu.memory_space<hbm>>) target(%arg8 : memref<16384xf32, #tpu.memory_space<vmem>>) target_semaphore(%arg15 : memref<!tpu.dma_semaphore, #tpu.memory_space<semaphore_mem>>)
      tpu.wait_dma2 semaphore(%arg12 : memref<!tpu.dma_semaphore, #tpu.memory_space<semaphore_mem>>) src(%arg4 : memref<1008xi32, #tpu.memory_space<hbm>>) dst(%arg9 : memref<1008xi32, #tpu.memory_space<vmem>>)
      tpu.wait_dma2 semaphore(%arg13 : memref<!tpu.dma_semaphore, #tpu.memory_space<semaphore_mem>>) src(%arg5 : memref<1008xi32, #tpu.memory_space<hbm>>) dst(%arg10 : memref<1008xi32, #tpu.memory_space<vmem>>)
      tpu.wait_dma2 semaphore(%arg14 : memref<!tpu.dma_semaphore, #tpu.memory_space<semaphore_mem>>) src(%arg2 : memref<16384xf32, #tpu.memory_space<hbm>>) dst(%arg7 : memref<16384xf32, #tpu.memory_space<vmem>>)
      tpu.wait_dma2 semaphore(%arg15 : memref<!tpu.dma_semaphore, #tpu.memory_space<semaphore_mem>>) src(%arg3 : memref<16384xf32, #tpu.memory_space<hbm>>) dst(%arg8 : memref<16384xf32, #tpu.memory_space<vmem>>)
      %broadcast_in_dim3A = arith.constant 0.000000e+00 : f32
      %broadcast_in_dim3A_2 = vector.broadcast %broadcast_in_dim3A : f32 to vector<16xf32>
      %parallel_loop3A = arith.constant 0 : i32
      %parallel_loop3A_3 = arith.constant 63 : i32
      %parallel_loop3A_4 = arith.constant 1 : i32
      %parallel_loop3A_5:2 = scf.for %parallel_loop3A_18 = %parallel_loop3A to %parallel_loop3A_3 step %parallel_loop3A_4 iter_args(%parallel_loop3A_19 = %broadcast_in_dim3A_2, %parallel_loop3A_20 = %broadcast_in_dim3A_2) -> (vector<16xf32>, vector<16xf32>)  : i32 {
        %parallel_loop3A_21 = arith.constant 16 : i32
        %parallel_loop3A_22 = arith.muli %parallel_loop3A_18, %parallel_loop3A_21 : i32
        %parallel_loop3A_23 = arith.index_cast %parallel_loop3A_22 : i32 to index
        %parallel_loop3A_24 = tpu.vector_load %arg9[%parallel_loop3A_23] {strides = array<i32>} : memref<1008xi32, #tpu.memory_space<vmem>>, vector<16xi32>,
        %parallel_loop3A_25 = arith.index_cast %parallel_loop3A_22 : i32 to index
        %parallel_loop3A_26 = tpu.vector_load %arg10[%parallel_loop3A_25] {strides = array<i32>} : memref<1008xi32, #tpu.memory_space<vmem>>, vector<16xi32>,
        %parallel_loop3A_27 = tpu.vector_load_idx %arg8[%parallel_loop3A_24] : memref<16384xf32, #tpu.memory_space<vmem>>[vector<16xi32>], vector<16xf32>,
        %parallel_loop3A_28 = tpu.vector_load_idx %arg8[%parallel_loop3A_26] : memref<16384xf32, #tpu.memory_space<vmem>>[vector<16xi32>], vector<16xf32>,
        %parallel_loop3A_29 = tpu.vector_load_idx %arg7[%parallel_loop3A_24] : memref<16384xf32, #tpu.memory_space<vmem>>[vector<16xi32>], vector<16xf32>,
        %parallel_loop3A_30 = tpu.vector_load_idx %arg7[%parallel_loop3A_26] : memref<16384xf32, #tpu.memory_space<vmem>>[vector<16xi32>], vector<16xf32>,
        %parallel_loop3A_31 = arith.subf %parallel_loop3A_27, %parallel_loop3A_28 : vector<16xf32>
        %parallel_loop3A_32 = tpu.bitcast %parallel_loop3A_31 : vector<16xf32> -> vector<16xi32>
        %parallel_loop3A_33 = arith.constant -2147483648 : i32
        %parallel_loop3A_34 = vector.broadcast %parallel_loop3A_33 : i32 to vector<16xi32>
        %parallel_loop3A_35 = arith.andi %parallel_loop3A_32, %parallel_loop3A_34 : vector<16xi32>
        %parallel_loop3A_36 = arith.constant 1065353216 : i32
        %parallel_loop3A_37 = vector.broadcast %parallel_loop3A_36 : i32 to vector<16xi32>
        %parallel_loop3A_38 = arith.ori %parallel_loop3A_37, %parallel_loop3A_35 : vector<16xi32>
        %parallel_loop3A_39 = tpu.bitcast %parallel_loop3A_38 : vector<16xi32> -> vector<16xf32>
        %parallel_loop3A_40 = math.absf %parallel_loop3A_31 : vector<16xf32>
        %parallel_loop3A_41 = arith.constant 0.000000e+00 : f32
        %parallel_loop3A_42 = vector.broadcast %parallel_loop3A_41 : f32 to vector<16xf32>
        %parallel_loop3A_43 = arith.cmpf ogt, %parallel_loop3A_40, %parallel_loop3A_42 : vector<16xf32>
        %parallel_loop3A_44 = arith.select %parallel_loop3A_43, %parallel_loop3A_39, %parallel_loop3A_31 : vector<16xi1>, vector<16xf32>
        %parallel_loop3A_45 = arith.cmpi ne, %parallel_loop3A_24, %parallel_loop3A_26 : vector<16xi32>
        %parallel_loop3A_46 = arith.cmpf one, %parallel_loop3A_27, %parallel_loop3A_28 : vector<16xf32>
        %parallel_loop3A_47 = arith.andi %parallel_loop3A_45, %parallel_loop3A_46 : vector<16xi1>
        %parallel_loop3A_48 = arith.constant 1.000000e+00 : f32
        %parallel_loop3A_49 = arith.constant 0.000000e+00 : f32
        %parallel_loop3A_50 = vector.broadcast %parallel_loop3A_48 : f32 to vector<16xf32>
        %parallel_loop3A_51 = vector.broadcast %parallel_loop3A_49 : f32 to vector<16xf32>
        %parallel_loop3A_52 = arith.select %parallel_loop3A_47, %parallel_loop3A_50, %parallel_loop3A_51 : vector<16xi1>, vector<16xf32>
        %parallel_loop3A_53 = arith.constant 0.000000e+00 : f32
        %parallel_loop3A_54 = vector.broadcast %parallel_loop3A_53 : f32 to vector<16xf32>
        %parallel_loop3A_55 = arith.subf %parallel_loop3A_54, %parallel_loop3A_44 : vector<16xf32>
        %parallel_loop3A_56 = arith.subf %parallel_loop3A_29, %parallel_loop3A_30 : vector<16xf32>
        %parallel_loop3A_57 = arith.mulf %parallel_loop3A_55, %parallel_loop3A_56 : vector<16xf32>
        %parallel_loop3A_58 = arith.constant 1.000000e-01 : f32
        %parallel_loop3A_59 = vector.broadcast %parallel_loop3A_58 : f32 to vector<16xf32>
        %parallel_loop3A_60 = arith.addf %parallel_loop3A_57, %parallel_loop3A_59 : vector<16xf32>
        %parallel_loop3A_61 = arith.constant 0.000000e+00 : f32
        %parallel_loop3A_62 = vector.broadcast %parallel_loop3A_61 : f32 to vector<16xf32>
        %parallel_loop3A_63 = arith.maximumf %parallel_loop3A_62, %parallel_loop3A_60 : vector<16xf32>
        %parallel_loop3A_64 = arith.mulf %parallel_loop3A_63, %parallel_loop3A_52 : vector<16xf32>
        %parallel_loop3A_65 = arith.addf %parallel_loop3A_19, %parallel_loop3A_64 : vector<16xf32>
        %parallel_loop3A_66 = arith.addf %parallel_loop3A_20, %parallel_loop3A_52 : vector<16xf32>
        scf.yield %parallel_loop3A_65, %parallel_loop3A_66 : vector<16xf32>, vector<16xf32>
      } {sc.loop_unroll_factor = 8 : i64, sc.parallel_access}
      %reduce_sum3A = arith.constant true
      %reduce_sum3A_6 = vector.broadcast %reduce_sum3A : i1 to vector<16xi1>
      %reduce_sum3A_7 = tpu.scan <sum>, %parallel_loop3A_5#0 masked %reduce_sum3A_6 : vector<16xf32>, vector<16xi1> -> vector<16xf32>
      %reduce_sum3A_8 = vector.extract %reduce_sum3A_7[15] : f32 from vector<16xf32>
      %broadcast_in_dim3A_9 = vector.broadcast %reduce_sum3A_8 : f32 to vector<16xf32>
      %reduce_sum3A_10 = arith.constant true
      %reduce_sum3A_11 = vector.broadcast %reduce_sum3A_10 : i1 to vector<16xi1>
      %reduce_sum3A_12 = tpu.scan <sum>, %parallel_loop3A_5#1 masked %reduce_sum3A_11 : vector<16xf32>, vector<16xi1> -> vector<16xf32>
      %reduce_sum3A_13 = vector.extract %reduce_sum3A_12[15] : f32 from vector<16xf32>
      %broadcast_in_dim3A_14 = vector.broadcast %reduce_sum3A_13 : f32 to vector<16xf32>
      %max3A = arith.constant 1.000000e+00 : f32
      %max3A_15 = vector.broadcast %max3A : f32 to vector<16xf32>
      %max3A_16 = arith.maximumf %broadcast_in_dim3A_14, %max3A_15 : vector<16xf32>
      %div3A = arith.divf %broadcast_in_dim3A_9, %max3A_16 : vector<16xf32>
      %swap3A = arith.constant 0 : index
      %swap3A_17 = tpu.vector_load %arg11[%swap3A] {strides = array<i32>} : memref<16xf32, #tpu.memory_space<vmem>>, vector<16xf32>,
      tpu.vector_store %arg11[%swap3A], %div3A {strides = array<i32>} : memref<16xf32, #tpu.memory_space<vmem>>, vector<16xf32>,
      "tpu.region"() ({
        %run_scoped3A = tpu.sem_alloc : memref<!tpu.dma_semaphore, #tpu.memory_space<semaphore_mem>>
        %dma_start3A = arith.constant 0 : i32
        %dma_start3A_18 = tpu.memref_slice %arg11[%dma_start3A] : memref<16xf32, #tpu.memory_space<vmem>> -> memref<1xf32, #tpu.memory_space<vmem>>
        %dma_start3A_19 = arith.constant 0 : i32
        %dma_start3A_20 = tpu.memref_slice %arg11[%dma_start3A_19] : memref<16xf32, #tpu.memory_space<vmem>> -> memref<1xf32, #tpu.memory_space<vmem>>
        tpu.enqueue_dma source(%dma_start3A_20 : memref<1xf32, #tpu.memory_space<vmem>>) target(%arg6 : memref<1xf32, #tpu.memory_space<hbm>>) target_semaphore(%run_scoped3A : memref<!tpu.dma_semaphore, #tpu.memory_space<semaphore_mem>>)
        %dma_wait3A = arith.constant 0 : i32
        %dma_wait3A_21 = tpu.memref_slice %arg11[%dma_wait3A] : memref<16xf32, #tpu.memory_space<vmem>> -> memref<1xf32, #tpu.memory_space<vmem>>
        %dma_wait3A_22 = arith.constant 0 : i32
        %dma_wait3A_23 = tpu.memref_slice %arg11[%dma_wait3A_22] : memref<16xf32, #tpu.memory_space<vmem>> -> memref<1xf32, #tpu.memory_space<vmem>>
        tpu.wait_dma2 semaphore(%run_scoped3A : memref<!tpu.dma_semaphore, #tpu.memory_space<semaphore_mem>>) src(%dma_wait3A_23 : memref<1xf32, #tpu.memory_space<vmem>>) dst(%arg6 : memref<1xf32, #tpu.memory_space<hbm>>)
        tpu.yield
      }) : () -> ()
    } else {
    }
    return
  }
}

</mosaic_0001>

<sc_bundles>
// kernel: kernel.3.cloned.1.call-start
scs
__scs_entry_jumppad:
0x0: {  	(pc) =	sbr.rel $0x88, $3  }
0x1: {  	(tag) =	ssettag $0x0;
	lr =	simm.s32 $0x1  }
0x2: {  	[smem:$0x3F9F] =	sst lr;
	_ =	strace $0xD0000000  }
0x3: {  	_ = 	snop  }
0x4: {  	_ = 	snop  }
0x5: {  	_ = 	snop  }
0x6: {  	_ = 	snop  }
0x7: {  	_ = 	snop  }
__scs_overlays_trampoline_lowered:
0x8: {  	[smem:$0x3FAE] =	sst s0  }
0x9: {  	[smem:$0x3FAF] =	sst s1  }
0xa: {  	[smem:$0x3FB0] =	sst s2  }
0xb: {  	[smem:$0x3FB1] =	sst s3  }
0xc: {  	[smem:$0x3FB2] =	sst s4  }
0xd: {  	[smem:$0x3FB3] =	sst s5  }
0xe: {  	[smem:$0x3FB4] =	sst s6  }
0xf: {  	[smem:$0x3FB5] =	sst s7  }
0x10: {  	[smem:$0x3FB6] =	sst s8  }
0x11: {  	[smem:$0x3FB7] =	sst s9;
	s0 =	simm.s32 @!p0 $0x0  }
0x12: {  	s1 =	sld [smem:$0x3F9D];
	s0 =	simm.s32 @p0 $0x1  }
0x13: {  	[smem:$0x3FB8] =	sst s0;
	s0 =	simm.s32 @!p1 $0x0  }
0x14: {  	s2 =	sld [smem:$0x3F9C];
	s0 =	simm.s32 @p1 $0x1  }
0x15: {  	[smem:$0x3FB9] =	sst s0;
	s0 =	simm.s32 @!p2 $0x0  }
0x16: {  	s3 =	sld [smem:$0x3FDB];
	s0 =	simm.s32 @p2 $0x1  }
0x17: {  	s4 =	simm.s32 $0x1BF5;
	[smem:$0x3FBB] =	sst s0  }
0x18: {  	s0 =	sld [smem:$0x3F9E];
	_ =	swait.ge [sflag:s4], $0x0  }
0x19: {  	s7 =	sld [smem:$0x3F9F]  }
0x1a: {  	s8 =	sadd.s32 $0xFFFFE003, lr  }
0x1b: {  	s9 =	sadd.s32 $0xFFFFFEF7, lr;
	s5 =	simm.s32 $0xFFFFFFFF;
	p2 =	slt.u32 s8, $0xFFFFF086  }
0x1c: {  	p1 =	slt.u32 s9, $0xF7A;
	s5 =	simm.s32 @!p2 $0x0  }
0x1d: {  	s5 =	simm.s32 @p1 $0x1;
	p0 =	seq.s32 s7, s2  }
0x1e: {  	s7 =	smul.u32 @!p0 $0xF7A, s2;
	p2 =	seq.s32 @!p0 s5, $0x0  }
0x1f: {  	s9 =	smul.u32 $0xF7A, s1;
	s8 =	simm.s32 @!p0 $0x1BF5;
	p2 =	por !p2, p0  }
0x20: {  	[sflag:s8] =	ssyncset.s32 @!p0 $0xFFFFF086;
	s6 =	sadd.s32 @!p0 s3, s7;
	s7 =	simm.s32 @!p0 $0x108  }
0x21: {  	s3 =	sadd.s32 s3, s9;
	s6 =	sadd.s32 @!p0 $0x88, s6;
	s7 =	simm.s32 @p2 $0x1082  }
0x22: {  	[simem:s7], [sflag:s8] =	dma.local @!p0 [hbm:s6], $0xF7A  }
0x23: {  	s9 =	sor.u32 $0xD0000000, s2;
	s6 =	simm.s32 $0x108;
	_ =	swait.ge @!p0 [sflag:s8], $0x0  }
0x24: {  	s3 =	sadd.s32 $0x88, s3;
	s6 =	simm.s32 @!p1 $0x1082;
	[sflag:s4] =	ssyncset.s32 $0xFFFFF086  }
0x25: {  	[simem:s6], [sflag:s4] =	dma.local [hbm:s3], $0xF7A  }
0x26: {  	[smem:$0x3F9F] =	sst s1;
	(tag) =	ssettag s2;
	_ =	strace s9  }
0x27: {  	s1 =	sld [smem:$0x3FAF]  }
0x28: {  	s2 =	sld [smem:$0x3FB0]  }
0x29: {  	s4 =	sld [smem:$0x3FB2]  }
0x2a: {  	p0 =	seq.s32 s5, $0x0;
	s5 =	sld [smem:$0x3FB3]  }
0x2b: {  	s6 =	sld [smem:$0x3FB4]  }
0x2c: {  	s7 =	sld [smem:$0x3FB5]  }
0x2d: {  	s3 =	simm.s32 $0x108;
	s8 =	sld [smem:$0x3FB6]  }
0x2e: {  	s3 =	simm.s32 @!p0 $0x1082;
	s9 =	sld [smem:$0x3FB7]  }
0x2f: {  	lr =	sadd.s32 s0, s3;
	s0 =	sld [smem:$0x3FAE]  }
0x30: {  	s3 =	sld [smem:$0x3FB1]  }
0x31: {  	[smem:$0x3FBA] =	sst s10  }
0x32: {  	s10 =	sld [smem:$0x3FB8];
	_ =	sdelay $0x3  }
0x33: {  	p0 =	seq.s32 s10, $0x1;
	s10 =	sld [smem:$0x3FBA];
	_ =	sdelay $0x3  }
0x34: {  	[smem:$0x3FBA] =	sst s10  }
0x35: {  	s10 =	sld [smem:$0x3FB9];
	_ =	sdelay $0x3  }
0x36: {  	p1 =	seq.s32 s10, $0x1;
	s10 =	sld [smem:$0x3FBA];
	_ =	sdelay $0x3  }
0x37: {  	[smem:$0x3FBA] =	sst s10  }
0x38: {  	s10 =	sld [smem:$0x3FBB]  }
0x39: {  	_ = 	snop;
	(pc) =	sbr.ind lr, $3  }
0x3a: {  	_ = 	snop  }
0x3b: {  	_ = 	snop  }
0x3c: {  	p2 =	seq.s32 s10, $0x1;
	s10 =	sld [smem:$0x3FBA]  }
0x3d: {  	_ =	shalt  }
0x3e: {  	_ =	shalt  }
0x3f: {  	_ =	shalt  }
0x40: {  	_ =	shalt  }
0x41: {  	_ =	shalt  }
0x42: {  	_ =	shalt  }
0x43: {  	_ =	shalt  }
0x44: {  	_ =	shalt  }
0x45: {  	_ =	shalt  }
0x46: {  	_ =	shalt  }
0x47: {  	_ =	shalt  }
0x48: {  	_ =	shalt  }
0x49: {  	_ =	shalt  }
0x4a: {  	_ =	shalt  }
0x4b: {  	_ =	shalt  }
0x4c: {  	_ =	shalt  }
0x4d: {  	_ =	shalt  }
0x4e: {  	_ =	shalt  }
0x4f: {  	_ =	shalt  }
0x50: {  	_ =	shalt  }
0x51: {  	_ =	shalt  }
0x52: {  	_ =	shalt  }
0x53: {  	_ =	shalt  }
0x54: {  	_ =	shalt  }
0x55: {  	_ =	shalt  }
0x56: {  	_ =	shalt  }
0x57: {  	_ =	shalt  }
0x58: {  	_ =	shalt  }
0x59: {  	_ =	shalt  }
0x5a: {  	_ =	shalt  }
0x5b: {  	_ =	shalt  }
0x5c: {  	_ =	shalt  }
0x5d: {  	_ =	shalt  }
0x5e: {  	_ =	shalt  }
0x5f: {  	_ =	shalt  }
0x60: {  	_ =	shalt  }
0x61: {  	_ =	shalt  }
0x62: {  	_ =	shalt  }
0x63: {  	_ =	shalt  }
0x64: {  	_ =	shalt  }
0x65: {  	_ =	shalt  }
0x66: {  	_ =	shalt  }
0x67: {  	_ =	shalt  }
0x68: {  	_ =	shalt  }
0x69: {  	_ =	shalt  }
0x6a: {  	_ =	shalt  }
0x6b: {  	_ =	shalt  }
0x6c: {  	_ =	shalt  }
0x6d: {  	_ =	shalt  }
0x6e: {  	_ =	shalt  }
0x6f: {  	_ =	shalt  }
0x70: {  	_ =	shalt  }
0x71: {  	_ =	shalt  }
0x72: {  	_ =	shalt  }
0x73: {  	_ =	shalt  }
0x74: {  	_ =	shalt  }
0x75: {  	_ =	shalt  }
0x76: {  	_ =	shalt  }
0x77: {  	_ =	shalt  }
0x78: {  	_ =	shalt  }
0x79: {  	_ =	shalt  }
0x7a: {  	_ =	shalt  }
0x7b: {  	_ =	shalt  }
0x7c: {  	_ =	shalt  }
0x7d: {  	_ =	shalt  }
0x7e: {  	_ =	shalt  }
0x7f: {  	_ =	shalt  }
0x80: {  	_ =	shalt  }
0x81: {  	_ =	shalt  }
0x82: {  	_ =	shalt  }
0x83: {  	_ =	shalt  }
0x84: {  	_ =	shalt  }
0x85: {  	_ =	shalt  }
0x86: {  	_ =	shalt  }
0x87: {  	_ =	shalt  }
.Lfunc_end0:
.L_simem_size_0:
called_computation_lowered:
.L_overlay_start_0:
0x88: {  	s0 =	sld [smem:$0x3FD9]  }
0x89: {  	s1 =	sld [smem:$0x3FFE];
	_ =	sdelay $0x3  }
0x8a: {  	s0 =	sadd.s32 s1, s0  }
0x8b: {  	[smem:$0x3FC6] =	sst s0  }
0x8c: {  	_ = 	snop  }
0x8d: {  	s0 =	sld [smem:$0x3FC9]  }
0x8e: {  	s16 =	sld [smem:$0x3FC8]  }
0x8f: {  	s2 =	sld [smem:$0x3FD0];
	(tm) =	ssettm $0x1  }
0x90: {  	s3 =	sld [smem:$0x3FFB];
	_ =	sdelay $0x3  }
0x91: {  	_ =	strace s3  }
0x92: {  	s3 =	sld [smem:$0x3FFC];
	_ =	sdelay $0x3  }
0x93: {  	_ =	strace s3  }
0x94: {  	s3 =	sld [smem:$0x3FFD];
	_ =	sdelay $0x3  }
0x95: {  	_ =	strace s3  }
0x96: {  	_ =	strace $0x8FFFFFFF  }
0x97: {  	s17 =	sld [smem:$0x3FDB];
	_ =	sdelay $0x1  }
0x98: {  	s4 =	simm.s32 $_scs_section_size  }
0x99: {  	s5 =	simm.s32 $_size__tile_overlayer_lowered;
	s6 =	simm.s32 $_tile_overlayer_lowered  }
0x9a: {  	s20 =	simm.s32 $0x1BFF;
	s19 =	sshll.u32 s6, $0x1;
	s3 =	sadd.s32 s4, s17  }
0x9b: {  	s7 =	simm.s32 $0x0;
	s18 =	sshll.u32 s5, $0x1;
	s5 =	sadd.s32 s19, s3  }
0x9c: {  	[timem:s7], [sflag:s20] =	dma.local [hbm:s5], s18  }
0x9d: {  	_ =	swait.ge [sflag:s20], s18  }
0x9e: {  	s4 =	ssub.s32 $0x0, s18;
	[sflag:s20] =	ssyncset.done $0x0  }
0x9f: {  	[sflag:s20] =	ssyncadd.s32 s4;
	_ =	sdelay $0x1  }
0xa0: {  	s21 =	simm.s32 $0x1B8B  }
0xa1: {  	_ =	swait.ge [sflag:s21], $0x1  }
0xa2: {  	[sflag:s21] =	ssyncset.done $0x0  }
0xa3: {  	s23 =	simm.s32 $0x1B8E;
	s22 =	sld [smem:$0x3FFE];
	[sflag:s21] =	ssyncadd.s32 $0xFFFFFFFF  }
0xa4: {  	s24 =	simm.s32 $execute0_lowered;
	[smem:$0x3FD2] =	sst s23  }
0xa5: {  	s5 =	sshll.u32 s24, $0x1;
	_ =	strace $0x80000046;
	[dreg:$0x1] =	wrdreg $0xFFFFFFFF  }
0xa6: {  	s25 =	simm.s32 $_size_execute0_lowered;
	s3 =	sadd.s32 s3, s5;
	[dreg:$0x0] =	wrdreg $0x0  }
0xa7: {  	s5 =	sshll.u32 s25, $0x1;
	[dreg:$0x2] =	wrdreg s3  }
0xa8: {  	[dreg:$0x3] =	wrdreg s5  }
0xa9: {  	[dreg:$0x4] =	wrdreg $0xC0  }
0xaa: {  	_ =	task [dreg:s7], $0x5FFFF  }
0xab: {  	[dreg:$0x1] =	wrdreg $0xFFFFFFFF  }
0xac: {  	[dreg:$0x0] =	wrdreg $0x60  }
0xad: {  	[dreg:$0x2] =	wrdreg s0  }
0xae: {  	[dreg:$0x3] =	wrdreg s16  }
0xaf: {  	[dreg:$0x4] =	wrdreg s22  }
0xb0: {  	[dreg:$0x5] =	wrdreg s2  }
0xb1: {  	[dreg:$0x6] =	wrdreg $0x9  }
0xb2: {  	_ =	task.clear_ibuf [dreg:s7], $0x7FFFF;
	_ =	strace $0x90000046  }
0xb3: {  	s26 =	simm.s32 $0x9;
	_ =	strace $0x80000048  }
0xb4: {  	_ =	swait.ge [sflag:s26], $0x1  }
0xb5: {  	[sflag:s26] =	ssyncadd.s32 $0xFFFFFFFF  }
0xb6: {  	_ =	strace $0x90000048  }
0xb7: {  	_ =	sfence  }
0xb8: {  	s28 =	sld [smem:$0x0];
	_ =	sdelay $0x1  }
0xb9: {  	s29 =	srdreg.scid  }
0xba: {  	s30 =	sshll.u32 s29, $0xD;
	s31 =	sshrl.u32 s29, $0x2  }
0xbb: {  	s1 =	sand.u32 $0x1, s29;
	s2 =	sand.u32 $0x4000, s30;
	s0 =	sadd.s32 s31, s28  }
0xbc: {  	s1 =	sor.u32 s2, s1;
	s0 =	sshll.u32 s0, $0x11  }
0xbd: {  	s0 =	sor.u32 s0, s1  }
0xbe: {  	s0 =	sadd.s32 $0x8F2B, s0  }
0xbf: {  	[sflag:s0] =	ssyncadd.remote.s32 $0x1  }
0xc0: {  	_ =	sfence.sel $0xFFFF  }
0xc1: {  	[dreg:$0x0] =	wrdreg $0xFFFFFFFF;
	(pc) =	sbr.abs _section_cstart, $3  }
0xc2: {  	[dreg:$0x1] =	wrdreg $0xFFFFFFFF  }
0xc3: {  	_ =	task.clear_ibuf [dreg:s7], $0x2FFFF;
	_ =	strace $0x9FFFFFFF  }
0xc4: {  	(tm) =	ssettm $0x7FFFFFFF  }
0xc5: {  	_ =	shalt  }
tec
execute0_lowered:
.L_overlay_start_1:
0x0: {  	(tag) =	ssettag $0x1  }
0x1: {  	s3 =	rddreg [dreg:$0x0]  }
0x2: {  	s4 =	rddreg [dreg:$0x1]  }
0x3: {  	s5 =	rddreg [dreg:$0x2]  }
0x4: {  	s1 =	rddreg [dreg:$0x3];
	s2 =	stileid.u32  }
0x5: {  	s0 =	rddreg [dreg:$0x4];
	_ =	strace $0x80000047;
	p0 =	sne.s32 s2, $0x0  }
0x6: {  	_ =	sfence.sel @p0 $0x180000  }
0x7: {  	[bflag:$0x0] =	sbarrier.arrive @p0 $0xFFFF  }
0x8: {  	_ =	strace @p0 $0x90000047  }
0x9: {  	[bflag:$0x2] =	sbarrier.arrive @p0 $0xFFFF  }
0xa: {  	_ =	shalt @p0  }
.LBB2_1:
0xb: {  	s6 =	sadd.s32 $0xE00, s5;
	s2 =	simm.s32 $0x0;
	s7 =	simm.s32 $0x8000  }
0xc: {  	[tilespmem:s7], [sflag:$0x1] =	stream.linear.gather [hbm4b:s6+s2], $0x400, $0x38;
	[tilespmem:$0x8880] =	vst v63  }
0xd: {  	s24 =	sadd.s32 $0x1000, s5;
	s25 =	simm.s32 $0x8400  }
0xe: {  	[tilespmem:s25], [sflag:$0x2] =	stream.linear.gather [hbm4b:s24+s2], $0x400, $0x38;
	[tilespmem:$0x8880] =	vst v63  }
0xf: {  	_ = 	snop  }
0x10: {  	[tilespmem:s2], [sflag:$0x3] =	stream.linear.gather [hbm4b:s3+s2], $0x4000, $0x38;
	[tilespmem:$0x8880] =	vst v63  }
0x11: {  	s26 =	simm.s32 $0x1;
	s3 =	simm.s32 $0x4000  }
0x12: {  	[tilespmem:s3], [sflag:$0x4] =	stream.linear.gather [hbm4b:s4+s2], $0x4000, $0x38;
	[tilespmem:$0x8880] =	vst v63  }
0x13: {  	_ =	swait.ge [sflag:s26], $0x400  }
0x14: {  	[sflag:s26] =	ssyncset.done $0x0  }
0x15: {  	s28 =	simm.s32 $0x2;
	[sflag:s26] =	ssyncadd.s32 $0xFFFFFC00  }
0x16: {  	_ =	swait.ge [sflag:s28], $0x400  }
0x17: {  	[sflag:s28] =	ssyncset.done $0x0  }
0x18: {  	s29 =	simm.s32 $0x3;
	[sflag:s28] =	ssyncadd.s32 $0xFFFFFC00  }
0x19: {  	_ =	swait.ge [sflag:s29], $0x4000  }
0x1a: {  	[sflag:s29] =	ssyncset.done $0x0  }
0x1b: {  	s30 =	simm.s32 $0x4;
	[sflag:s29] =	ssyncadd.s32 $0xFFFFC000  }
0x1c: {  	_ =	swait.ge [sflag:s30], $0x4000  }
0x1d: {  	[sflag:s30] =	ssyncset.done $0x0  }
0x1e: {  	s31 =	simm.s32 $0x8040;
	[sflag:s30] =	ssyncadd.s32 $0xFFFFC000  }
0x1f: {  	s4 =	simm.s32 $0x8440;
	v0 =	vld [tilespmem:s31+$0x30]  }
0x20: {  	v1 =	vld [tilespmem:s4+$0x30]  }
0x21: {  	v2 =	vld [tilespmem:s31+$0x20]  }
0x22: {  	v3 =	vld [tilespmem:s4+$0x20]  }
0x23: {  	v4 =	vld [tilespmem:s31+$0x10]  }
0x24: {  	v5 =	vld [tilespmem:s4+$0x10]  }
0x25: {  	v6 =	vld [tilespmem:s31+$0x0]  }
0x26: {  	v7 =	vld [tilespmem:s4+$0x0]  }
0x27: {  	v8 =	vld [tilespmem:s31+$0xFFFFFFF0]  }
0x28: {  	v9 =	vld [tilespmem:s4+$0xFFFFFFF0]  }
0x29: {  	v14 =	vld [tilespmem:s31+$0xFFFFFFE0]  }
0x2a: {  	v17 =	vld [tilespmem:s4+$0xFFFFFFE0]  }
0x2b: {  	v10 =	vld [tilespmem:s31+$0xFFFFFFD0]  }
0x2c: {  	v12 =	vld [tilespmem:s4+$0xFFFFFFD0]  }
0x2d: {  	v13 =	vld [tilespmem:s31+$0xFFFFFFC0]  }
0x2e: {  	v15 =	vld [tilespmem:s4+$0xFFFFFFC0]  }
0x2f: {  	v11 =	vld.idx.msk [tilespmem:v0+s2+$0x0], $0xffff  }
0x30: {  	v16 =	vld.idx.msk [tilespmem:v1+s2+$0x0], $0xffff  }
0x31: {  	v18 =	vld.idx.msk [tilespmem:v2+s2+$0x0], $0xffff  }
0x32: {  	v19 =	vld.idx.msk [tilespmem:v3+s2+$0x0], $0xffff  }
0x33: {  	v20 =	vld.idx.msk [tilespmem:v4+s2+$0x0], $0xffff  }
0x34: {  	v21 =	vld.idx.msk [tilespmem:v5+s2+$0x0], $0xffff  }
0x35: {  	v22 =	vld.idx.msk [tilespmem:v0+s3+$0x0], $0xffff  }
0x36: {  	v23 =	vld.idx.msk [tilespmem:v1+s3+$0x0], $0xffff  }
0x37: {  	v24 =	vld.idx.msk [tilespmem:v6+s2+$0x0], $0xffff  }
0x38: {  	v25 =	vld.idx.msk [tilespmem:v7+s2+$0x0], $0xffff  }
0x39: {  	v26 =	vld.idx.msk [tilespmem:v2+s3+$0x0], $0xffff  }
0x3a: {  	v27 =	vld.idx.msk [tilespmem:v3+s3+$0x0], $0xffff  }
0x3b: {  	v28 =	vld.idx.msk [tilespmem:v8+s2+$0x0], $0xffff  }
0x3c: {  	v29 =	vld.idx.msk [tilespmem:v9+s2+$0x0], $0xffff  }
0x3d: {  	v30 =	vld.idx.msk [tilespmem:v4+s3+$0x0], $0xffff  }
0x3e: {  	v31 =	vld.idx.msk [tilespmem:v5+s3+$0x0], $0xffff  }
0x3f: {  	v32 =	vld.idx.msk [tilespmem:v14+s2+$0x0], $0xffff  }
0x40: {  	v33 =	vld.idx.msk [tilespmem:v6+s3+$0x0], $0xffff  }
0x41: {  	v34 =	vld.idx.msk [tilespmem:v7+s3+$0x0], $0xffff  }
0x42: {  	v35 =	vld.idx.msk [tilespmem:v8+s3+$0x0], $0xffff  }
0x43: {  	v36 =	vimm.f32 $1.000000000e+00;
	vm3 =	vne.s32 v2, v3;
	vm0 =	vne.s32 v0, v1;
	v37 =	vld.idx.msk [tilespmem:v9+s3+$0x0], $0xffff  }
0x44: {  	vm1 =	vne.s32 v8, v9;
	vm4 =	vne.s32 v6, v7;
	vm8 =	vne.s32 v4, v5;
	v38 =	vld.idx.msk [tilespmem:v10+s3+$0x0], $0xffff  }
0x45: {  	v6 =	vld.idx.msk [tilespmem:v12+s3+$0x0], $0xffff;
	v0 =	vimm.f32 $0.0e+00;
	v2 =	vand.u32 $0x7FFFFFFF, v36;
	vm5 =	vlt.f32 v26, v27  }
0x46: {  	v9 =	vld.idx.msk [tilespmem:v17+s2+$0x0], $0xffff;
	vm6 =	vlt.f32 v22, v23;
	vm7 =	vgt.f32 v22, v23;
	vm2 =	vlt.f32 v30, v31  }
0x47: {  	vm9 =	vgt.f32 v26, v27;
	v1 =	vsub.f32 v11, v16;
	vm10 =	vlt.f32 v33, v34  }
0x48: {  	v7 =	vld.idx.msk [tilespmem:v14+s3+$0x0], $0xffff;
	vm11 =	vgt.f32 v30, v31;
	v3 =	vsub.f32 v18, v19;
	v4 =	vsub.f32 v20, v21  }
0x49: {  	v39 =	vld.idx.msk [tilespmem:v17+s3+$0x0], $0xffff;
	vm12 =	vlt.f32 v35, v37;
	v5 =	vsub.f32 v24, v25;
	v11 =	vsub.f32 v22, v23  }
0x4a: {  	v40 =	vld.idx.msk [tilespmem:v13+s3+$0x0], $0xffff;
	vm13 =	vgt.f32 v33, v34;
	v16 =	vsub.f32 v26, v27;
	v8 =	vsub.f32 v28, v29  }
0x4b: {  	v18 =	vld.idx.msk [tilespmem:v15+s3+$0x0], $0xffff;
	v9 =	vsub.f32 v32, v9;
	v28 =	vsub.f32 v38, v6;
	vm7 =	vmor vm7, vm6  }
0x4c: {  	v19 =	vld.idx.msk [tilespmem:v10+s2+$0x0], $0xffff;
	vm6 =	vgt.f32 v35, v37;
	vm10 =	vmor vm13, vm10;
	vm13 =	vlt.f32 v38, v6  }
0x4d: {  	v20 =	vld.idx.msk [tilespmem:v12+s2+$0x0], $0xffff;
	vm11 =	vmor vm11, vm2;
	vm2 =	vgt.f32 v38, v6;
	vm15 =	vmor vm9, vm5  }
0x4e: {  	v21 =	vld.idx.msk [tilespmem:v13+s2+$0x0], $0xffff;
	vm5 =	vlt.f32 v7, v39;
	vm9 =	vmor vm2, vm13;
	vm2 =	vgt.f32 v7, v39  }
0x4f: {  	v22 =	vld.idx.msk [tilespmem:v15+s2+$0x0], $0xffff;
	v6 =	vimm.f32 $0.0e+00;
	vm15 =	vmand vm3, vm15;
	vm13 =	vmor vm2, vm5  }
0x50: {  	vm5 =	vmor vm6, vm12;
	vm2 =	vlt.f32 v40, v18;
	vm6 =	vgt.f32 v40, v18  }
0x51: {  	vm14 =	vmand vm0, vm7;
	vm7 =	vne.s32 v14, v17;
	vm12 =	vmor vm6, vm2  }
0x52: {  	vm6 =	vne.s32 v13, v15;
	v13 =	vsub.f32 v30, v31;
	vm2 =	vne.s32 v10, v12  }
0x53: {  	v10 =	vimm.s32 $0x0;
	v12 =	vsub.f32 v19, v20;
	v15 =	vsub.f32 v35, v37  }
0x54: {  	v19 =	vsub.f32 v21, v22;
	v20 =	vsub.f32 v7, v39;
	v10 =	vsel vm2, $0xFFFFFFFF, v10  }
0x55: {  	s5 =	simm.s32 $0x0;
	s6 =	simm.s32 $0x80C0;
	v35 =	vsub.f32 v40, v18;
	v7 =	vimm.f32 $0.0e+00;
	[tilespmem:$0x1FFF0] =	vst v10;
	v10 =	vsub.f32 v33, v34  }
.LBB2_2:
0x56: {  	vm0 =	vmand vm1, vm5;
	v17 =	vimm.s32 $0x0  }
0x57: {  	v14 =	vimm.s32 $0x0;
	v18 =	vimm.s32 $0x0;
	v17 =	vsel vm0, $0xFFFFFFFF, v17  }
0x58: {  	vm7 =	vmand vm7, vm13;
	vm0 =	vmand vm4, vm10;
	[tilespmem:$0x1FEF0] =	vst v17;
	v17 =	vimm.s32 $0x0  }
0x59: {  	v21 =	vimm.s32 $0x0;
	vm13 =	vmand vm6, vm12;
	v17 =	vsel vm0, $0xFFFFFFFF, v17  }
0x5a: {  	v40 =	vand.u32 $0x80000000, v20;
	vm0 =	vmand vm8, vm11;
	[tilespmem:$0x1FF00] =	vst v17;
	v17 =	vimm.s32 $0x0  }
0x5b: {  	vm6 =	vgt.f32 v20, $0.0e+00;
	v17 =	vsel vm0, $0xFFFFFFFF, v17;
	vm0 =	vlt.f32 v11, $0.0e+00  }
0x5c: {  	v27 =	vimm.s32 $0x0;
	v14 =	vsel vm14, $0xFFFFFFFF, v14;
	v18 =	vsel vm0, $0xFFFFFFFF, v18  }
0x5d: {  	v31 =	vand.u32 $0x80000000, v11;
	vm0 =	vgt.f32 v11, $0.0e+00;
	[tilespmem:$0x1FF20] =	vst v18;
	v18 =	vimm.s32 $0x0  }
0x5e: {  	v33 =	vand.u32 $0x80000000, v16;
	v18 =	vsel vm0, $0xFFFFFFFF, v18;
	vm0 =	vlt.f32 v16, $0.0e+00  }
0x5f: {  	v36 =	vand.u32 $0x80000000, v13;
	vm5 =	vgt.f32 v16, $0.0e+00;
	v21 =	vsel vm0, $0xFFFFFFFF, v21  }
0x60: {  	vm12 =	vlt.f32 v13, $0.0e+00;
	vm4 =	vgt.f32 v13, $0.0e+00;
	v37 =	vand.u32 $0x80000000, v10;
	[tilespmem:$0x1FF40] =	vst v21;
	v21 =	vld [tilespmem:$0x1FFF0]  }
0x61: {  	vm3 =	vgt.f32 v10, $0.0e+00;
	v39 =	vand.u32 $0x80000000, v15;
	vm2 =	vgt.f32 v15, $0.0e+00  }
0x62: {  	v41 =	vand.u32 $0x80000000, v28;
	vm14 =	vgt.f32 v28, $0.0e+00;
	v42 =	vand.u32 $0x80000000, v35  }
0x63: {  	vm1 =	vlt.f32 v35, $0.0e+00;
	v45 =	vsel vm7, $0x3F800000, v0;
	v49 =	vsel vm13, $0x3F800000, v0  }
0x64: {  	v40 =	vor.u32 v40, v2;
	[tilespmem:$0x1FF70] =	vst v14;
	v14 =	vimm.s32 $0x0;
	v46 =	vor.u32 v31, v2  }
0x65: {  	v48 =	vor.u32 v33, v2;
	v50 =	vor.u32 v36, v2;
	v30 =	vld [tilespmem:$0x1FEF0];
	vm0 =	vnez.u8 v21  }
0x66: {  	v14 =	vsel vm15, $0xFFFFFFFF, v14;
	vm15 =	vmand vm0, vm9;
	vm0 =	vlt.f32 v28, $0.0e+00  }
0x67: {  	vm4 =	vmor vm4, vm12;
	vm11 =	vlt.f32 v10, $0.0e+00;
	v27 =	vsel vm0, $0xFFFFFFFF, v27  }
0x68: {  	v39 =	vor.u32 v39, v2;
	v51 =	vor.u32 v37, v2;
	vm3 =	vmor vm3, vm11;
	[tilespmem:$0x1FF50] =	vst v27  }
0x69: {  	v60 =	vor.u32 v42, v2;
	v13 =	vsel vm4, v50, v13;
	v10 =	vsel vm3, v51, v10;
	v63 =	vld [tilespmem:$0x1FF50]  }
0x6a: {  	v13 =	vsub.f32 $0.0e+00, v13;
	v10 =	vsub.f32 $0.0e+00, v10;
	vm10 =	vnez.u8 v30;
	v30 =	vld [tilespmem:$0x1FF00]  }
0x6b: {  	v41 =	vor.u32 v41, v2;
	v7 =	vadd.f32 v49, v7;
	vm8 =	vlt.f32 v20, $0.0e+00;
	v31 =	vld [tilespmem:$0x1FF20]  }
0x6c: {  	v4 =	vmul.f32 v13, v4;
	v5 =	vmul.f32 v10, v5;
	vm0 =	vgt.f32 v35, $0.0e+00  }
0x6d: {  	v43 =	vsel vm10, $0x3F800000, v0;
	vm9 =	vlt.f32 v15, $0.0e+00;
	vm0 =	vmor vm0, vm1  }
0x6e: {  	[tilespmem:$0x1FF10] =	vst v17;
	vm1 =	vmor vm2, vm9;
	v61 =	vsel vm0, v60, v35;
	vm2 =	vnez.u8 v63  }
0x6f: {  	vm10 =	vnez.u8 v30;
	v30 =	vld [tilespmem:$0x1FF10];
	v62 =	vsub.f32 $0.0e+00, v61;
	vm2 =	vmor vm14, vm2  }
0x70: {  	v4 =	vadd.f32 $1.000000010e-01, v4;
	[tilespmem:$0x1FF30] =	vst v18;
	vm7 =	vnez.u8 v31;
	v28 =	vsel vm2, v41, v28  }
0x71: {  	v31 =	vld [tilespmem:$0x1FF30];
	vm0 =	vmor vm6, vm8;
	v19 =	vmul.f32 v62, v19;
	v28 =	vsub.f32 $0.0e+00, v28  }
0x72: {  	v44 =	vsel vm10, $0x3F800000, v0;
	v15 =	vsel vm1, v39, v15;
	v20 =	vsel vm0, v40, v20  }
0x73: {  	v20 =	vsub.f32 $0.0e+00, v20;
	v19 =	vadd.f32 $1.000000010e-01, v19;
	v12 =	vmul.f32 v28, v12  }
0x74: {  	v47 =	vsel vm15, $0x3F800000, v0;
	vm10 =	vnez.u8 v30;
	v15 =	vsub.f32 $0.0e+00, v15  }
0x75: {  	v9 =	vmul.f32 v20, v9;
	v19 =	vmax.f32 v19, $0.0e+00;
	v12 =	vadd.f32 $1.000000010e-01, v12  }
0x76: {  	v38 =	vsel vm10, $0x3F800000, v0;
	vm10 =	vnez.u8 v31;
	v19 =	vmul.f32 v19, v49  }
0x77: {  	v31 =	vld [tilespmem:$0x1FF40];
	v8 =	vmul.f32 v15, v8;
	v9 =	vadd.f32 $1.000000010e-01, v9;
	v12 =	vmax.f32 v12, $0.0e+00  }
0x78: {  	v5 =	vadd.f32 $1.000000010e-01, v5;
	v6 =	vadd.f32 v19, v6;
	v12 =	vmul.f32 v12, v47  }
0x79: {  	v7 =	vadd.f32 v47, v7;
	v8 =	vadd.f32 $1.000000010e-01, v8;
	v9 =	vmax.f32 v9, $0.0e+00  }
0x7a: {  	v5 =	vmax.f32 v5, $0.0e+00;
	v9 =	vmul.f32 v9, v45;
	v6 =	vadd.f32 v12, v6  }
0x7b: {  	vm10 =	vmor vm10, vm7;
	v7 =	vadd.f32 v45, v7;
	v8 =	vmax.f32 v8, $0.0e+00  }
0x7c: {  	vm7 =	vnez.u8 v31;
	v8 =	vmul.f32 v8, v43;
	v6 =	vadd.f32 v9, v6  }
0x7d: {  	v24 =	vld [tilespmem:s6+$0x0];
	v4 =	vmax.f32 v4, $0.0e+00;
	v5 =	vmul.f32 v5, v44;
	vm5 =	vmor vm5, vm7  }
0x7e: {  	v26 =	vld [tilespmem:s6+$0xFFFFFFF0];
	v7 =	vadd.f32 v43, v7;
	v48 =	vsel vm5, v48, v16;
	v6 =	vadd.f32 v8, v6  }
0x7f: {  	v32 =	vld [tilespmem:s6+$0xFFFFFFD0];
	[tilespmem:$0x1FF60] =	vst v14;
	v4 =	vmul.f32 v4, v38;
	v41 =	vsub.f32 $0.0e+00, v48  }
0x80: {  	s4 =	sadd.s32 $0x80, s4;
	v46 =	vsel vm10, v46, v11;
	v5 =	vadd.f32 v5, v6;
	v6 =	vadd.f32 v44, v7;
	v7 =	vld [tilespmem:$0x1FF60]  }
0x81: {  	v22 =	vld [tilespmem:s4+$0x20];
	v50 =	vsub.f32 $0.0e+00, v46  }
0x82: {  	v3 =	vmul.f32 v41, v3;
	v4 =	vadd.f32 v4, v5;
	v5 =	vadd.f32 v38, v6;
	v6 =	vld [tilespmem:$0x1FF70]  }
0x83: {  	v23 =	vld [tilespmem:s4+$0x10]  }
0x84: {  	v25 =	vld [tilespmem:s4+$0x0];
	v1 =	vmul.f32 v50, v1;
	v3 =	vadd.f32 $1.000000010e-01, v3  }
0x85: {  	v29 =	vld [tilespmem:s4+$0xFFFFFFF0];
	vm0 =	vnez.u8 v7  }
0x86: {  	v18 =	vld [tilespmem:s6+$0x20];
	v1 =	vadd.f32 $1.000000010e-01, v1;
	v3 =	vmax.f32 v3, $0.0e+00;
	v7 =	vsel vm0, $0x3F800000, v0  }
0x87: {  	v14 =	vld [tilespmem:s6+$0x30];
	v3 =	vmul.f32 v3, v7;
	vm0 =	vnez.u8 v6  }
0x88: {  	v17 =	vld [tilespmem:s4+$0x30];
	v1 =	vmax.f32 v1, $0.0e+00;
	v8 =	vsel vm0, $0x3F800000, v0  }
0x89: {  	v34 =	vld [tilespmem:s4+$0xFFFFFFD0];
	v3 =	vadd.f32 v3, v4;
	v1 =	vmul.f32 v1, v8  }
0x8a: {  	v33 =	vld [tilespmem:s6+$0xFFFFFFC0]  }
0x8b: {  	v56 =	vld.idx.msk [tilespmem:v24+s3+$0x0], $0xffff;
	vm0 =	vne.s32 v18, v22;
	v6 =	vadd.f32 v1, v3;
	v1 =	vimm.s32 $0x0  }
0x8c: {  	v53 =	vld.idx.msk [tilespmem:v25+s2+$0x0], $0xffff;
	v1 =	vsel vm0, $0xFFFFFFFF, v1  }
0x8d: {  	v27 =	vld [tilespmem:s6+$0xFFFFFFE0];
	vm0 =	vne.s32 v14, v17;
	[tilespmem:$0x1FFD0] =	vst v1;
	v1 =	vimm.s32 $0x0  }
0x8e: {  	v21 =	vld [tilespmem:s6+$0x10];
	v1 =	vsel vm0, $0xFFFFFFFF, v1  }
0x8f: {  	v30 =	vld [tilespmem:s4+$0xFFFFFFE0];
	vm0 =	vne.s32 v26, v29;
	[tilespmem:$0x1FFE0] =	vst v1;
	v1 =	vimm.s32 $0x0  }
0x90: {  	v31 =	vld [tilespmem:s4+$0xFFFFFFC0];
	v1 =	vsel vm0, $0xFFFFFFFF, v1  }
0x91: {  	v36 =	vld.idx.msk [tilespmem:v14+s2+$0x0], $0xffff;
	vm0 =	vne.s32 v24, v25;
	[tilespmem:$0x1FFC0] =	vst v1;
	v1 =	vimm.s32 $0x0  }
0x92: {  	v15 =	vld.idx.msk [tilespmem:v18+s3+$0x0], $0xffff;
	v1 =	vsel vm0, $0xFFFFFFFF, v1  }
0x93: {  	v20 =	vld.idx.msk [tilespmem:v24+s2+$0x0], $0xffff;
	vm0 =	vne.s32 v21, v23;
	[tilespmem:$0x1FF90] =	vst v1;
	v1 =	vimm.s32 $0x0  }
0x94: {  	v19 =	vld.idx.msk [tilespmem:v22+s3+$0x0], $0xffff;
	v1 =	vsel vm0, $0xFFFFFFFF, v1  }
0x95: {  	v63 =	vld.idx.msk [tilespmem:v27+s3+$0x0], $0xffff;
	vm0 =	vne.s32 v33, v31;
	[tilespmem:$0x1FFA0] =	vst v1;
	v1 =	vimm.s32 $0x0  }
0x96: {  	v28 =	vld.idx.msk [tilespmem:v14+s3+$0x0], $0xffff;
	v1 =	vsel vm0, $0xFFFFFFFF, v1  }
0x97: {  	v14 =	vld.idx.msk [tilespmem:v30+s3+$0x0], $0xffff;
	vm0 =	vne.s32 v32, v34;
	[tilespmem:$0x1FFB0] =	vst v1;
	v1 =	vimm.s32 $0x0  }
0x98: {  	v57 =	vld.idx.msk [tilespmem:v25+s3+$0x0], $0xffff;
	v1 =	vsel vm0, $0xFFFFFFFF, v1  }
0x99: {  	v37 =	vld.idx.msk [tilespmem:v17+s2+$0x0], $0xffff;
	vm0 =	vlt.f32 v15, v19;
	[tilespmem:$0x1FFF0] =	vst v1;
	v1 =	vimm.s32 $0x0  }
0x9a: {  	v52 =	vld.idx.msk [tilespmem:v17+s3+$0x0], $0xffff;
	v1 =	vsel vm0, $0xFFFFFFFF, v1  }
0x9b: {  	v35 =	vld.idx.msk [tilespmem:v18+s2+$0x0], $0xffff;
	v4 =	vadd.f32 v7, v5;
	v5 =	vsub.f32 v20, v53;
	[tilespmem:$0x1FF80] =	vst v1  }
0x9c: {  	vm8 =	vlt.f32 v63, v14;
	vm3 =	vgt.f32 v63, v14;
	v20 =	vsub.f32 v63, v14;
	v14 =	vld [tilespmem:$0x1FF80]  }
0x9d: {  	v13 =	vld.idx.msk [tilespmem:v21+s3+$0x0], $0xffff  }
0x9e: {  	v9 =	vld.idx.msk [tilespmem:v23+s3+$0x0], $0xffff  }
0x9f: {  	vm11 =	vlt.f32 v56, v57;
	v18 =	vld.idx.msk [tilespmem:v34+s3+$0x0], $0xffff  }
0xa0: {  	vm2 =	vgt.f32 v56, v57;
	vm10 =	vgt.f32 v28, v52;
	v17 =	vld.idx.msk [tilespmem:v32+s3+$0x0], $0xffff;
	vm0 =	vlt.f32 v28, v52  }
0xa1: {  	vm0 =	vmor vm10, vm0;
	vm10 =	vmor vm2, vm11;
	vm2 =	vnez.u8 v14;
	v14 =	vld [tilespmem:$0x1FF90];
	_ =	sdelay $0x2  }
0xa2: {  	vm9 =	vlt.f32 v13, v9  }
0xa3: {  	vm13 =	vgt.f32 v13, v9;
	vm4 =	vlt.f32 v17, v18;
	vm14 =	vgt.f32 v17, v18  }
0xa4: {  	vm11 =	vmor vm13, vm9;
	vm9 =	vmor vm14, vm4;
	vm4 =	vnez.u8 v14;
	v14 =	vld [tilespmem:$0x1FFA0]  }
0xa5: {  	v11 =	vld.idx.msk [tilespmem:v21+s2+$0x0], $0xffff  }
0xa6: {  	v16 =	vld.idx.msk [tilespmem:v22+s2+$0x0], $0xffff  }
0xa7: {  	v22 =	vld.idx.msk [tilespmem:v31+s3+$0x0], $0xffff  }
0xa8: {  	v21 =	vld.idx.msk [tilespmem:v33+s3+$0x0], $0xffff  }
0xa9: {  	vm13 =	vmor vm3, vm8;
	vm8 =	vnez.u8 v14;
	v14 =	vld [tilespmem:$0x1FFB0];
	_ =	sdelay $0x1  }
0xaa: {  	v10 =	vld.idx.msk [tilespmem:v26+s2+$0x0], $0xffff  }
0xab: {  	v58 =	vld.idx.msk [tilespmem:v32+s2+$0x0], $0xffff  }
0xac: {  	v59 =	vld.idx.msk [tilespmem:v34+s2+$0x0], $0xffff;
	vm12 =	vgt.f32 v15, v19;
	vm1 =	vlt.f32 v21, v22;
	vm6 =	vgt.f32 v21, v22  }
0xad: {  	vm2 =	vmor vm12, vm2;
	vm12 =	vmor vm6, vm1;
	vm6 =	vnez.u8 v14;
	v14 =	vld [tilespmem:$0x1FFC0]  }
0xae: {  	v60 =	vld.idx.msk [tilespmem:v26+s3+$0x0], $0xffff  }
0xaf: {  	v40 =	vld.idx.msk [tilespmem:v23+s2+$0x0], $0xffff  }
0xb0: {  	v54 =	vld.idx.msk [tilespmem:v27+s2+$0x0], $0xffff  }
0xb1: {  	v55 =	vld.idx.msk [tilespmem:v30+s2+$0x0], $0xffff  }
0xb2: {  	vm1 =	vnez.u8 v14;
	v14 =	vld [tilespmem:$0x1FFD0]  }
0xb3: {  	v61 =	vld.idx.msk [tilespmem:v29+s3+$0x0], $0xffff  }
0xb4: {  	v12 =	vld.idx.msk [tilespmem:v29+s2+$0x0], $0xffff  }
0xb5: {  	v62 =	vld.idx.msk [tilespmem:v33+s2+$0x0], $0xffff  }
0xb6: {  	v13 =	vsub.f32 v13, v9;
	v9 =	vsub.f32 v54, v55;
	v23 =	vld.idx.msk [tilespmem:v31+s2+$0x0], $0xffff  }
0xb7: {  	s5 =	sadd.s32 $0x8, s5;
	v7 =	vadd.f32 v8, v4;
	v3 =	vsub.f32 v35, v16;
	vm3 =	vnez.u8 v14;
	v14 =	vld [tilespmem:$0x1FFE0]  }
0xb8: {  	p0 =	slt.u32 s5, $0x30;
	vm7 =	vne.s32 v27, v30;
	v4 =	vsub.f32 v11, v40;
	v11 =	vsub.f32 v28, v52  }
.Ltmp0:
0xb9: {  	vm15 =	vlt.f32 v60, v61;
	v16 =	vsub.f32 v15, v19;
	v8 =	vsub.f32 v10, v12;
	(pc) =	sbr.rel @p0 .LBB2_2-.Ltmp0, $4  }
0xba: {  	vm5 =	vgt.f32 v60, v61;
	v10 =	vsub.f32 v56, v57;
	v12 =	vsub.f32 v58, v59  }
0xbb: {  	vm5 =	vmor vm5, vm15;
	v35 =	vsub.f32 v21, v22;
	v15 =	vsub.f32 v60, v61  }
0xbc: {  	v19 =	vsub.f32 v62, v23;
	vm15 =	vmand vm3, vm2;
	vm2 =	vnez.u8 v14  }
0xbd: {  	s6 =	sadd.s32 $0x80, s6;
	v28 =	vsub.f32 v17, v18;
	v1 =	vsub.f32 v36, v37;
	vm14 =	vmand vm2, vm0  }
0xbe: {  	vm0 =	vmand vm1, vm5  }
0xbf: {  	vm1 =	vmand vm4, vm10;
	vm2 =	vmand vm8, vm11;
	vm3 =	vmand vm7, vm13  }
0xc0: {  	vm6 =	vmand vm6, vm12;
	vm10 =	vgt.f32 v11, $0.0e+00;
	vm11 =	vlt.f32 v16, $0.0e+00  }
0xc1: {  	vm12 =	vgt.f32 v16, $0.0e+00;
	vm13 =	vgt.f32 v13, $0.0e+00;
	vm7 =	vlt.f32 v10, $0.0e+00  }
0xc2: {  	v24 =	vand.u32 $0x80000000, v35;
	v26 =	vand.u32 $0x80000000, v16;
	v27 =	vand.u32 $0x80000000, v11  }
0xc3: {  	v46 =	vand.u32 $0x80000000, v13;
	v48 =	vand.u32 $0x80000000, v20;
	v52 =	vand.u32 $0x80000000, v10  }
0xc4: {  	v53 =	vand.u32 $0x80000000, v15;
	v44 =	vsel vm0, $0x3F800000, v0;
	v17 =	vsel vm1, $0x3F800000, v0  }
0xc5: {  	v18 =	vsel vm2, $0x3F800000, v0;
	vm2 =	vlt.f32 v13, $0.0e+00;
	v21 =	vsel vm3, $0x3F800000, v0  }
0xc6: {  	vm1 =	vmor vm12, vm11;
	v23 =	vsel vm6, $0x3F800000, v0;
	vm12 =	vlt.f32 v35, $0.0e+00  }
0xc7: {  	v24 =	vor.u32 v24, v2;
	vm11 =	vgt.f32 v20, $0.0e+00;
	v25 =	vand.u32 $0x80000000, v28  }
0xc8: {  	v14 =	vld [tilespmem:$0x1FFF0];
	v26 =	vor.u32 v26, v2;
	v27 =	vor.u32 v27, v2;
	v50 =	vor.u32 v48, v2  }
0xc9: {  	vm2 =	vmor vm13, vm2;
	vm13 =	vgt.f32 v35, $0.0e+00;
	v25 =	vor.u32 v25, v2  }
0xca: {  	v45 =	vsel vm1, v26, v16;
	v26 =	vor.u32 v46, v2;
	v7 =	vadd.f32 v23, v7  }
0xcb: {  	vm3 =	vmor vm13, vm12;
	vm12 =	vlt.f32 v28, $0.0e+00;
	vm13 =	vgt.f32 v28, $0.0e+00  }
0xcc: {  	v49 =	vsel vm2, v26, v13;
	v24 =	vsel vm3, v24, v35;
	vm3 =	vmor vm13, vm12  }
0xcd: {  	vm8 =	vnez.u8 v14;
	v25 =	vsel vm3, v25, v28;
	v24 =	vsub.f32 $0.0e+00, v24  }
0xce: {  	vm4 =	vmand vm8, vm9;
	vm9 =	vlt.f32 v11, $0.0e+00;
	vm8 =	vlt.f32 v15, $0.0e+00  }
0xcf: {  	v54 =	vsub.f32 $0.0e+00, v25;
	vm5 =	vmor vm10, vm9;
	v22 =	vsel vm4, $0x3F800000, v0  }
0xd0: {  	vm4 =	vgt.f32 v10, $0.0e+00;
	vm9 =	vgt.f32 v15, $0.0e+00;
	vm10 =	vlt.f32 v20, $0.0e+00  }
0xd1: {  	v19 =	vmul.f32 v24, v19;
	vm0 =	vmor vm4, vm7;
	vm4 =	vmor vm9, vm8  }
0xd2: {  	vm6 =	vmor vm11, vm10;
	v47 =	vsel vm5, v27, v11;
	v27 =	vor.u32 v53, v2  }
0xd3: {  	v2 =	vor.u32 v52, v2;
	v12 =	vmul.f32 v54, v12;
	v51 =	vsel vm6, v50, v20  }
0xd4: {  	v55 =	vsel vm4, v27, v15;
	v19 =	vadd.f32 $1.000000010e-01, v19;
	v20 =	vsub.f32 $0.0e+00, v51  }
0xd5: {  	v57 =	vsub.f32 $0.0e+00, v45;
	v2 =	vsel vm0, v2, v10;
	v56 =	vsub.f32 $0.0e+00, v55  }
0xd6: {  	v12 =	vadd.f32 $1.000000010e-01, v12;
	v58 =	vmax.f32 v19, $0.0e+00;
	v9 =	vmul.f32 v20, v9  }
0xd7: {  	v13 =	vsub.f32 $0.0e+00, v49;
	v2 =	vsub.f32 $0.0e+00, v2;
	v16 =	vmul.f32 v58, v23  }
0xd8: {  	v12 =	vmax.f32 v12, $0.0e+00;
	v8 =	vmul.f32 v56, v8;
	v9 =	vadd.f32 $1.000000010e-01, v9  }
0xd9: {  	v3 =	vmul.f32 v57, v3;
	v59 =	vmul.f32 v12, v22;
	v6 =	vadd.f32 v16, v6  }
0xda: {  	v2 =	vmul.f32 v2, v5;
	v8 =	vadd.f32 $1.000000010e-01, v8;
	v9 =	vmax.f32 v9, $0.0e+00  }
0xdb: {  	v4 =	vmul.f32 v13, v4;
	v5 =	vadd.f32 v59, v6;
	v61 =	vmul.f32 v9, v21  }
0xdc: {  	v60 =	vadd.f32 v22, v7;
	v2 =	vadd.f32 $1.000000010e-01, v2;
	v8 =	vmax.f32 v8, $0.0e+00  }
0xdd: {  	v4 =	vadd.f32 $1.000000010e-01, v4;
	v62 =	vmul.f32 v8, v44;
	v5 =	vadd.f32 v61, v5  }
0xde: {  	v11 =	vsub.f32 $0.0e+00, v47;
	v6 =	vadd.f32 v21, v60;
	v2 =	vmax.f32 v2, $0.0e+00  }
0xdf: {  	v3 =	vadd.f32 $1.000000010e-01, v3;
	v2 =	vmul.f32 v2, v17;
	v5 =	vadd.f32 v62, v5  }
0xe0: {  	v4 =	vmax.f32 v4, $0.0e+00;
	v1 =	vmul.f32 v11, v1;
	v6 =	vadd.f32 v44, v6  }
0xe1: {  	v63 =	vsel vm15, $0x3F800000, v0;
	v4 =	vmul.f32 v4, v18;
	v2 =	vadd.f32 v2, v5  }
0xe2: {  	v3 =	vmax.f32 v3, $0.0e+00;
	v1 =	vadd.f32 $1.000000010e-01, v1;
	v5 =	vadd.f32 v17, v6  }
0xe3: {  	v3 =	vmul.f32 v3, v63;
	v2 =	vadd.f32 v4, v2  }
0xe4: {  	v1 =	vmax.f32 v1, $0.0e+00;
	v4 =	vsel vm14, $0x3F800000, v0;
	v0 =	vadd.f32 v18, v5  }
0xe5: {  	v1 =	vmul.f32 v1, v4;
	v2 =	vadd.f32 v3, v2  }
0xe6: {  	v3 =	vadd.f32 v63, v0  }
0xe7: {  	v0 =	vadd.f32 v1, v2;
	v2 =	vimm.f32 $1.000000000e+00  }
0xe8: {  	s2 =	simm.s32 $0x0;
	s3 =	simm.s32 $0x4000;
	s4 =	simm.s32 $0x0;
	v1 =	vadd.f32 v4, v3;
	v3 =	vimm.f32 $0.0e+00;
	v2 =	vand.u32 $0x7FFFFFFF, v2  }
.LBB2_4:
0xe9: {  	s5 =	sshra.s32 s4, $0x2  }
0xea: {  	v4 =	vld [tilespmem:s5+$0x8380]  }
0xeb: {  	v5 =	vld [tilespmem:s5+$0x8780];
	_ =	sdelay $0x6  }
0xec: {  	v6 =	vld.idx.msk [tilespmem:v4+s3+$0x0], $0xffff  }
0xed: {  	v7 =	vld.idx.msk [tilespmem:v5+s3+$0x0], $0xffff;
	_ =	sdelay $0x3  }
0xee: {  	v8 =	vld.idx.msk [tilespmem:v4+s2+$0x0], $0xffff  }
0xef: {  	v9 =	vld.idx.msk [tilespmem:v5+s2+$0x0], $0xffff;
	v10 =	vsub.f32 v6, v7;
	_ =	sdelay $0x1  }
0xf0: {  	v11 =	vand.u32 $0x80000000, v10;
	vm0 =	vlt.f32 v10, $0.0e+00;
	vm1 =	vgt.f32 v10, $0.0e+00  }
0xf1: {  	v11 =	vor.u32 v11, v2;
	vm0 =	vmor vm1, vm0  }
0xf2: {  	v10 =	vsel vm0, v11, v10  }
0xf3: {  	v8 =	vsub.f32 v8, v9;
	v10 =	vsub.f32 $0.0e+00, v10;
	_ =	sdelay $0x1  }
0xf4: {  	v8 =	vmul.f32 v10, v8  }
0xf5: {  	vm14 =	vlt.f32 v6, v7;
	vm15 =	vgt.f32 v6, v7  }
0xf6: {  	p0 =	sne.s32 s4, $0x180;
	vm2 =	vne.s32 v4, v5;
	vm0 =	vmor vm15, vm14;
	v4 =	vadd.f32 $1.000000010e-01, v8  }
.Ltmp1:
0xf7: {  	vm0 =	vmand vm2, vm0;
	(pc) =	sbr.rel @p0 .LBB2_4-.Ltmp1, $3  }
0xf8: {  	v5 =	vsel vm0, $0x3F800000, v3;
	v4 =	vmax.f32 v4, $0.0e+00  }
0xf9: {  	v4 =	vmul.f32 v4, v5;
	_ =	sdelay $0x1  }
0xfa: {  	s4 =	sadd.s32 $0x40, s4;
	v1 =	vadd.f32 v5, v1;
	v0 =	vadd.f32 v4, v0  }
0xfb: {  	_ = 	snop  }
0xfc: {  	(xrf2) =	vadd.scan.msk.f32 $0xffff, v0  }
0xfd: {  	(xrf2) =	vadd.scan.msk.f32 $0xffff, v1;
	_ =	sdelay $0x8  }
0xfe: {  	v0, _, _ =	vpop (xrf2)  }
0xff: {  	v1, _, _ =	vpop (xrf2)  }
0x100: {  	v1 =	vmax.f32 v1, $1.000000000e+00  }
0x101: {  	v1 =	vbroadcast v1, $0xF;
	_ =	sdelay $0x1  }
0x102: {  	(erf) = vrcp.f32 v1;
	_ =	sdelay $0x7  }
0x103: {  	v0 =	vbroadcast v0, $0xF  }
0x104: {  	v1 =	vpop (erf)  }
0x105: {  	v0 =	vmul.f32 v1, v0;
	_ =	sdelay $0x1  }
0x106: {  	s2 =	simm.s32 $0x0;
	s3 =	simm.s32 $0x8800;
	s31 =	simm.s32 $0x5;
	[tilespmem:$0x8800] =	vst v0  }
0x107: {  	[hbm4b:s1+s2] =	stream.linear.scatter [tilespmem:s3], [sflag:$0x5], $0x1, $0x38;
	[tilespmem:$0x8880] =	vst v63  }
0x108: {  	_ =	swait.ge [sflag:s31], $0x1  }
0x109: {  	[sflag:s31] =	ssyncset.done $0x0  }
0x10a: {  	[sflag:s31] =	ssyncadd.s32 $0xFFFFFFFF  }
0x10b: {  	_ =	sfence.sel $0x180000  }
0x10c: {  	[bflag:$0x0] =	sbarrier.arrive $0xFFFF  }
0x10d: {  	_ =	strace $0x90000047  }
0x10e: {  	s0 =	sadd.s32 $0x100000, s0;
	[bflag:$0x2] =	sbarrier.arrive $0xFFFF  }
0x10f: {  	[sflag:s0] =	ssyncadd.tile.s32 $0x1;
	_ =	shalt  }
.Lfunc_end2:
_tile_overlayer_lowered:
.L_overlay_start_2:
0x110: {  	(tag) =	ssettag $0x2  }
0x111: {  	s0 =	rddreg [dreg:$0x0];
	s2 =	stileid.u32  }
0x112: {  	s1 =	rddreg [dreg:$0x1];
	p0 =	sne.s32 s2, $0x0  }
0x113: {  	s3 =	rddreg [dreg:$0x2];
	[bflag:$0x3] =	sbarrier.arrive $0xFFFF;
	s2 =	simm.s32 @!p0 $0x1C05  }
0x114: {  	[timem:s3], [sflag:s2] =	dma.local @!p0 [hbm:s0], s1  }
0x115: {  	s0 =	simm.s32 @!p0 $0x5  }
0x116: {  	_ =	swait.ge @!p0 [sflag:s0], s1  }
0x117: {  	s1 =	ssub.s32 @!p0 $0x0, s1;
	[sflag:s0] =	ssyncset.done @!p0 $0x0  }
0x118: {  	[sflag:s0] =	ssyncadd.s32 @!p0 s1  }
0x119: {  	[bflag:$0x3] =	sbarrier.arrive $0xFFFF  }
0x11a: {  	_ =	shalt  }

</sc_bundles>
